<compile_context>
chip_gen: v7x
topology: tpu7x:2x2x1
jax: 0.10.2.dev20260603
libtpu: 0.0.44.dev20260713+nightly
codegen_flags: <defaults>
</compile_context>

<pallas_src>
import functools

import jax
import jax.numpy as jnp
from jax import lax
from jax.experimental import pallas as pl
from jax.experimental.pallas import tpu as pltpu
from jax.experimental.pallas import tpu_sc as plsc

EPS = 1e-15
N_NODES = 10000
N_PAD = 10240
D_FEAT = 128
N_EDGES = 320000
E_TOTAL = 2 * N_EDGES

NUM_CORES = 2
NUM_SUBCORES = 16
NUM_WORKERS = NUM_CORES * NUM_SUBCORES
EDGES_PER_WORKER = E_TOTAL // NUM_WORKERS
CHUNK = 80
NUM_CHUNKS = EDGES_PER_WORKER // CHUNK
QDEPTH = 8

_MM_STEPS = 25
_MM_BM = N_NODES // _MM_STEPS
_G_ROWS = N_NODES * N_PAD // 2 // D_FEAT
_G_BLOCK = _G_ROWS // _MM_STEPS


def _mm_body(a_ref, b_ref, out_ref):
    res = lax.dot_general(a_ref[...], b_ref[...],
                          (((1,), (1,)), ((), ())),
                          preferred_element_type=jnp.float32)
    b = lax.bitcast_convert_type(res, jnp.int32)
    lo = lax.shift_right_logical(b[:, :N_PAD // 2], 16)
    hi = b[:, N_PAD // 2:] & jnp.int32(-65536)
    w = lo | hi
    out_ref[...] = w.reshape(_G_BLOCK, D_FEAT)


_tc_matmul = pl.pallas_call(
    _mm_body,
    grid=(_MM_STEPS,),
    in_specs=[
        pl.BlockSpec((_MM_BM, D_FEAT), lambda i: (i, 0)),
        pl.BlockSpec((N_PAD, D_FEAT), lambda i: (0, 0)),
    ],
    out_specs=pl.BlockSpec((_G_BLOCK, D_FEAT), lambda i: (i, 0)),
    out_shape=jax.ShapeDtypeStruct((_G_ROWS, D_FEAT), jnp.int32),
)


def _sc_gather_body(g_hbm, fidx_hbm, out_hbm, fidxv, outb, sem):
    wid = lax.axis_index("s") * NUM_CORES + lax.axis_index("c")
    ebase = wid * EDGES_PER_WORKER

    pltpu.sync_copy(fidx_hbm.at[pl.ds(ebase, EDGES_PER_WORKER)], fidxv)

    def stream(c):
        return pltpu.make_async_copy(
            g_hbm.at[fidxv.at[pl.ds(c * CHUNK, CHUNK)]],
            outb.at[pl.ds(c * CHUNK, CHUNK)], sem)

    def fire(c, carry):
        stream(c).start()
        return carry

    def fire_drain(c, carry):
        stream(c).start()
        stream(c - QDEPTH).wait()
        return carry

    def drain(c, carry):
        stream(c).wait()
        return carry

    lax.fori_loop(0, QDEPTH, fire, 0)
    lax.fori_loop(QDEPTH, NUM_CHUNKS, fire_drain, 0)
    lax.fori_loop(NUM_CHUNKS - QDEPTH, NUM_CHUNKS, drain, 0)

    pltpu.sync_copy(outb, out_hbm.at[pl.ds(ebase, EDGES_PER_WORKER)])


_sc_gather = pl.kernel(
    _sc_gather_body,
    out_type=jax.ShapeDtypeStruct((E_TOTAL,), jnp.int32),
    mesh=plsc.VectorSubcoreMesh(
        core_axis_name="c", subcore_axis_name="s",
        num_cores=NUM_CORES, num_subcores=NUM_SUBCORES,
    ),
    scratch_types=[
        pltpu.VMEM((EDGES_PER_WORKER,), jnp.int32),
        pltpu.VMEM((EDGES_PER_WORKER,), jnp.int32),
        pltpu.SemaphoreType.DMA,
    ],
)


_L_ROWS = E_TOTAL // D_FEAT


def _tc_loss_body(w_ref, par_ref, out_ref):
    w = w_ref[...]
    par = par_ref[...]
    bits = jnp.where(par == 0, w << 16, w & jnp.int32(-65536))
    x = lax.bitcast_convert_type(bits, jnp.float32)
    p = x[:_L_ROWS // 2, :]
    n = x[_L_ROWS // 2:, :]
    pos_l = -jnp.log(jax.nn.sigmoid(p) + EPS)
    neg_l = -jnp.log(1.0 - jax.nn.sigmoid(n) + EPS)
    out_ref[0, 0] = (jnp.sum(pos_l) + jnp.sum(neg_l)) / N_EDGES


_tc_loss = pl.pallas_call(
    _tc_loss_body,
    out_specs=pl.BlockSpec(memory_space=pltpu.SMEM),
    out_shape=jax.ShapeDtypeStruct((1, 1), jnp.float32),
)


def kernel(z, pos_edge_index, neg_edge_index):
    zb = z.astype(jnp.bfloat16)
    zpad = jnp.concatenate(
        [zb, jnp.zeros((N_PAD - N_NODES, D_FEAT), jnp.bfloat16)])
    g = _tc_matmul(zb, zpad).reshape(N_NODES * N_PAD // 2)
    src = jnp.concatenate([pos_edge_index[0], neg_edge_index[0]]
                          ).astype(jnp.int32)
    dst = jnp.concatenate([pos_edge_index[1], neg_edge_index[1]]
                          ).astype(jnp.int32)
    half = N_PAD // 2
    parity = (dst >= half).astype(jnp.int32)
    widx = src * half + (dst - parity * half)
    words = _sc_gather(g, widx)
    loss = _tc_loss(words.reshape(_L_ROWS, D_FEAT),
                    parity.reshape(_L_ROWS, D_FEAT))
    return loss[0, 0]

# --- scband reference (transcript-rebuilt; emitter-appended) ---
"""Pipeline reference for scband-env-loss-38096359916182 (READ-ONLY COPY).

The authoritative reference and input builder live on the scoring server;
editing this copy changes nothing except your own understanding.
"""

import jax, jax.numpy as jnp
import numpy as np

EPS = 1e-15
N_NODES = 10000
D_FEAT = 128
N_EDGES = 320000


def setup_inputs(seed: int = 0) -> dict:
    key = jax.random.key(seed)
    k1, k2, k3 = jax.random.split(key, 3)
    z = jax.random.normal(k1, (N_NODES, D_FEAT), dtype=jnp.float32)
    pos_edge_index = jax.random.randint(k2, (2, N_EDGES), 0, N_NODES, dtype=jnp.int64)
    neg_edge_index = jax.random.randint(k3, (2, N_EDGES), 0, N_NODES, dtype=jnp.int64)
    return {"z": z, "pos_edge_index": pos_edge_index, "neg_edge_index": neg_edge_index}


def _decoder(z, edge_index, sigmoid=True):
    src = jnp.take(z, edge_index[0], axis=0)
    dst = jnp.take(z, edge_index[1], axis=0)
    value = jnp.sum(src * dst, axis=1)
    return jax.nn.sigmoid(value) if sigmoid else value


def reference(z, pos_edge_index, neg_edge_index):
    pos_loss = -jnp.log(_decoder(z, pos_edge_index) + EPS).mean()
    neg_loss = -jnp.log(1.0 - _decoder(z, neg_edge_index) + EPS).mean()
    return pos_loss + neg_loss

if __name__ == "__main__":
    import jax
    _d = setup_inputs()
    print(jax.jit(kernel)(*tuple(_d.values())))

</pallas_src>

<mosaic_0001>
#map = affine_map<(d0, d1) -> (0)>
module attributes {stable_mosaic.version = 14 : i64} {
  func.func @_sc_gather_body(%arg0: i32, %arg1: i32, %arg2: memref<51200000xi32, #tpu.memory_space<hbm>>, %arg3: memref<640000xi32, #tpu.memory_space<hbm>>, %arg4: memref<640000xi32, #tpu.memory_space<hbm>>, %arg5: memref<20000xi32, #tpu.memory_space<vmem>>, %arg6: memref<20000xi32, #tpu.memory_space<vmem>>, %arg7: memref<!tpu.dma_semaphore, #tpu.memory_space<semaphore_mem>>) attributes {dimension_semantics = [#tpu.dimension_semantics<core_parallel>, #tpu.dimension_semantics<subcore_parallel>], iteration_bounds = array<i64: 2, 16>, scalar_prefetch = 0 : i64, scratch_operands = 3 : i64, tpu.core_type = #tpu.core_type<sc_vector_subcore>, window_params = [{transform_indices = #map}, {transform_indices = #map}, {transform_indices = #map}]} {
    %mul3A = arith.constant 2 : i32
    %mul3A_0 = arith.muli %arg1, %mul3A : i32
    %add3A = arith.addi %mul3A_0, %arg0 : i32
    %mul3A_1 = arith.constant 20000 : i32
    %mul3A_2 = arith.muli %add3A, %mul3A_1 : i32
    "tpu.region"() ({
      %run_scoped3A = tpu.sem_alloc : memref<!tpu.dma_semaphore, #tpu.memory_space<semaphore_mem>>
      %dma_start3A = tpu.memref_slice %arg3[%mul3A_2] : memref<640000xi32, #tpu.memory_space<hbm>> -> memref<20000xi32, #tpu.memory_space<hbm>>
      %dma_start3A_20 = tpu.memref_slice %arg3[%mul3A_2] : memref<640000xi32, #tpu.memory_space<hbm>> -> memref<20000xi32, #tpu.memory_space<hbm>>
      tpu.enqueue_dma source(%dma_start3A_20 : memref<20000xi32, #tpu.memory_space<hbm>>) target(%arg5 : memref<20000xi32, #tpu.memory_space<vmem>>) target_semaphore(%run_scoped3A : memref<!tpu.dma_semaphore, #tpu.memory_space<semaphore_mem>>)
      %dma_wait3A = tpu.memref_slice %arg3[%mul3A_2] : memref<640000xi32, #tpu.memory_space<hbm>> -> memref<20000xi32, #tpu.memory_space<hbm>>
      %dma_wait3A_21 = tpu.memref_slice %arg3[%mul3A_2] : memref<640000xi32, #tpu.memory_space<hbm>> -> memref<20000xi32, #tpu.memory_space<hbm>>
      tpu.wait_dma2 semaphore(%run_scoped3A : memref<!tpu.dma_semaphore, #tpu.memory_space<semaphore_mem>>) src(%dma_wait3A_21 : memref<20000xi32, #tpu.memory_space<hbm>>) dst(%arg5 : memref<20000xi32, #tpu.memory_space<vmem>>)
      tpu.yield
    }) : () -> ()
    %scan3A = arith.constant 0 : i32
    %scan3A_3 = arith.constant 0 : i32
    %scan3A_4 = arith.constant 8 : i32
    %scan3A_5 = arith.addi %scan3A_3, %scan3A_4 : i32
    %scan3A_6 = arith.constant 1 : i32
    scf.for %scan3A_20 = %scan3A_3 to %scan3A_5 step %scan3A_6  : i32 {
      %mul3A_21 = arith.constant 80 : i32
      %mul3A_22 = arith.muli %scan3A_20, %mul3A_21 : i32
      %mul3A_23 = arith.constant 80 : i32
      %mul3A_24 = arith.muli %scan3A_20, %mul3A_23 : i32
      %dma_start3A = tpu.memref_slice %arg6[%mul3A_24] : memref<20000xi32, #tpu.memory_space<vmem>> -> memref<80xi32, #tpu.memory_space<vmem>>
      %dma_start3A_25 = tpu.memref_slice %arg5[%mul3A_22] : memref<20000xi32, #tpu.memory_space<vmem>> -> memref<80xi32, #tpu.memory_space<vmem>>
      %dma_start3A_26 = arith.constant 0 : i32
      %dma_start3A_27 = tpu.memref_slice %arg2[%dma_start3A_26] : memref<51200000xi32, #tpu.memory_space<hbm>> -> memref<51200000xi32, #tpu.memory_space<hbm>>
      tpu.enqueue_indirect_dma source(%dma_start3A_27 : memref<51200000xi32, #tpu.memory_space<hbm>>) target(%dma_start3A : memref<80xi32, #tpu.memory_space<vmem>>) offsets(%dma_start3A_25 : memref<80xi32, #tpu.memory_space<vmem>>) semaphore(%arg7 : memref<!tpu.dma_semaphore, #tpu.memory_space<semaphore_mem>>)
    }
    %scan3A_7 = arith.constant 8 : i32
    %scan3A_8 = arith.constant 0 : i32
    %scan3A_9 = arith.constant 8 : i32
    %scan3A_10 = arith.constant 242 : i32
    %scan3A_11 = arith.addi %scan3A_9, %scan3A_10 : i32
    %scan3A_12 = arith.constant 1 : i32
    scf.for %scan3A_20 = %scan3A_9 to %scan3A_11 step %scan3A_12  : i32 {
      %mul3A_21 = arith.constant 80 : i32
      %mul3A_22 = arith.muli %scan3A_20, %mul3A_21 : i32
      %mul3A_23 = arith.constant 80 : i32
      %mul3A_24 = arith.muli %scan3A_20, %mul3A_23 : i32
      %dma_start3A = tpu.memref_slice %arg6[%mul3A_24] : memref<20000xi32, #tpu.memory_space<vmem>> -> memref<80xi32, #tpu.memory_space<vmem>>
      %dma_start3A_25 = tpu.memref_slice %arg5[%mul3A_22] : memref<20000xi32, #tpu.memory_space<vmem>> -> memref<80xi32, #tpu.memory_space<vmem>>
      %dma_start3A_26 = arith.constant 0 : i32
      %dma_start3A_27 = tpu.memref_slice %arg2[%dma_start3A_26] : memref<51200000xi32, #tpu.memory_space<hbm>> -> memref<51200000xi32, #tpu.memory_space<hbm>>
      tpu.enqueue_indirect_dma source(%dma_start3A_27 : memref<51200000xi32, #tpu.memory_space<hbm>>) target(%dma_start3A : memref<80xi32, #tpu.memory_space<vmem>>) offsets(%dma_start3A_25 : memref<80xi32, #tpu.memory_space<vmem>>) semaphore(%arg7 : memref<!tpu.dma_semaphore, #tpu.memory_space<semaphore_mem>>)
      %sub3A = arith.constant 8 : i32
      %sub3A_28 = arith.subi %scan3A_20, %sub3A : i32
      %mul3A_29 = arith.constant 80 : i32
      %mul3A_30 = arith.muli %sub3A_28, %mul3A_29 : i32
      %mul3A_31 = arith.constant 80 : i32
      %mul3A_32 = arith.muli %sub3A_28, %mul3A_31 : i32
      %dma_wait3A = tpu.memref_slice %arg6[%mul3A_32] : memref<20000xi32, #tpu.memory_space<vmem>> -> memref<80xi32, #tpu.memory_space<vmem>>
      %dma_wait3A_33 = tpu.memref_slice %arg5[%mul3A_30] : memref<20000xi32, #tpu.memory_space<vmem>> -> memref<80xi32, #tpu.memory_space<vmem>>
      %dma_wait3A_34 = arith.constant 0 : i32
      %dma_wait3A_35 = tpu.memref_slice %arg2[%dma_wait3A_34] : memref<51200000xi32, #tpu.memory_space<hbm>> -> memref<51200000xi32, #tpu.memory_space<hbm>>
      tpu.wait_indirect_dma semaphore(%arg7 : memref<!tpu.dma_semaphore, #tpu.memory_space<semaphore_mem>>) src(%dma_wait3A_35 : memref<51200000xi32, #tpu.memory_space<hbm>>) dst(%dma_wait3A : memref<80xi32, #tpu.memory_space<vmem>>)
    }
    %scan3A_13 = arith.constant 242 : i32
    %scan3A_14 = arith.constant 0 : i32
    %scan3A_15 = arith.constant 242 : i32
    %scan3A_16 = arith.constant 8 : i32
    %scan3A_17 = arith.addi %scan3A_15, %scan3A_16 : i32
    %scan3A_18 = arith.constant 1 : i32
    scf.for %scan3A_20 = %scan3A_15 to %scan3A_17 step %scan3A_18  : i32 {
      %mul3A_21 = arith.constant 80 : i32
      %mul3A_22 = arith.muli %scan3A_20, %mul3A_21 : i32
      %mul3A_23 = arith.constant 80 : i32
      %mul3A_24 = arith.muli %scan3A_20, %mul3A_23 : i32
      %dma_wait3A = tpu.memref_slice %arg6[%mul3A_24] : memref<20000xi32, #tpu.memory_space<vmem>> -> memref<80xi32, #tpu.memory_space<vmem>>
      %dma_wait3A_25 = tpu.memref_slice %arg5[%mul3A_22] : memref<20000xi32, #tpu.memory_space<vmem>> -> memref<80xi32, #tpu.memory_space<vmem>>
      %dma_wait3A_26 = arith.constant 0 : i32
      %dma_wait3A_27 = tpu.memref_slice %arg2[%dma_wait3A_26] : memref<51200000xi32, #tpu.memory_space<hbm>> -> memref<51200000xi32, #tpu.memory_space<hbm>>
      tpu.wait_indirect_dma semaphore(%arg7 : memref<!tpu.dma_semaphore, #tpu.memory_space<semaphore_mem>>) src(%dma_wait3A_27 : memref<51200000xi32, #tpu.memory_space<hbm>>) dst(%dma_wait3A : memref<80xi32, #tpu.memory_space<vmem>>)
    }
    %scan3A_19 = arith.constant 8 : i32
    "tpu.region"() ({
      %run_scoped3A = tpu.sem_alloc : memref<!tpu.dma_semaphore, #tpu.memory_space<semaphore_mem>>
      %dma_start3A = tpu.memref_slice %arg4[%mul3A_2] : memref<640000xi32, #tpu.memory_space<hbm>> -> memref<20000xi32, #tpu.memory_space<hbm>>
      %dma_start3A_20 = tpu.memref_slice %arg4[%mul3A_2] : memref<640000xi32, #tpu.memory_space<hbm>> -> memref<20000xi32, #tpu.memory_space<hbm>>
      tpu.enqueue_dma source(%arg6 : memref<20000xi32, #tpu.memory_space<vmem>>) target(%dma_start3A_20 : memref<20000xi32, #tpu.memory_space<hbm>>) target_semaphore(%run_scoped3A : memref<!tpu.dma_semaphore, #tpu.memory_space<semaphore_mem>>)
      %dma_wait3A = tpu.memref_slice %arg4[%mul3A_2] : memref<640000xi32, #tpu.memory_space<hbm>> -> memref<20000xi32, #tpu.memory_space<hbm>>
      %dma_wait3A_21 = tpu.memref_slice %arg4[%mul3A_2] : memref<640000xi32, #tpu.memory_space<hbm>> -> memref<20000xi32, #tpu.memory_space<hbm>>
      tpu.wait_dma2 semaphore(%run_scoped3A : memref<!tpu.dma_semaphore, #tpu.memory_space<semaphore_mem>>) src(%arg6 : memref<20000xi32, #tpu.memory_space<vmem>>) dst(%dma_wait3A_21 : memref<20000xi32, #tpu.memory_space<hbm>>)
      tpu.yield
    }) : () -> ()
    return
  }
}

module attributes {stable_mosaic.version = 14 : i64} {
  func.func @_mm_body(%arg0: i32, %arg1: memref<400x128xbf16, #tpu.memory_space<vmem>>, %arg2: memref<10240x128xbf16, #tpu.memory_space<vmem>>, %arg3: memref<16000x128xi32, #tpu.memory_space<vmem>>) attributes {dimension_semantics = [#tpu.dimension_semantics<arbitrary>], iteration_bounds = array<i64: 25>, scalar_prefetch = 0 : i64, scratch_operands = 0 : i64, tpu.core_type = #tpu.core_type<tc>, window_params = [{transform_indices = @transform_0, window_bounds = array<i64: 400, 128>}, {pipeline_mode = #tpu.pipeline_mode<synchronous>, transform_indices = @transform_1, window_bounds = array<i64: 10240, 128>}, {transform_indices = @transform_2, window_bounds = array<i64: 16000, 128>}]} {
    %get3A = arith.constant 0 : index
    %get3A_0 = arith.constant 0 : index
    %get3A_1 = vector.load %arg1[%get3A, %get3A_0] : memref<400x128xbf16, #tpu.memory_space<vmem>>, vector<400x128xbf16>
    %get3A_2 = arith.constant 0 : index
    %get3A_3 = arith.constant 0 : index
    %get3A_4 = vector.load %arg2[%get3A_2, %get3A_3] : memref<10240x128xbf16, #tpu.memory_space<vmem>>, vector<10240x128xbf16>
    %dot_general3A = arith.constant dense<0.000000e+00> : vector<400x10240xf32>
    %dot_general3A_5 = tpu.matmul %get3A_1, %get3A_4, %dot_general3A {dimension_numbers = #tpu.dot_dimension_numbers<[1], [1], [0], [0], [0, 0, 1, 0], [], []>, transpose_lhs_hint = false} : vector<400x128xbf16>, vector<10240x128xbf16>, vector<400x10240xf32> -> vector<400x10240xf32>
    %bitcast_convert_type3A = tpu.bitcast %dot_general3A_5 : vector<400x10240xf32> -> vector<400x10240xi32>
    %slice3A = vector.extract_strided_slice %bitcast_convert_type3A {offsets = [0, 0], sizes = [400, 5120], strides = [1, 1]} : vector<400x10240xi32> to vector<400x5120xi32>
    %shift_right_logical3A = arith.constant 16 : i32
    %shift_right_logical3A_6 = vector.broadcast %shift_right_logical3A : i32 to vector<400x5120xi32>
    %shift_right_logical3A_7 = arith.shrui %slice3A, %shift_right_logical3A_6 : vector<400x5120xi32>
    %slice3A_8 = vector.extract_strided_slice %bitcast_convert_type3A {offsets = [0, 5120], sizes = [400, 5120], strides = [1, 1]} : vector<400x10240xi32> to vector<400x5120xi32>
    %and3A = arith.constant -65536 : i32
    %and3A_9 = vector.broadcast %and3A : i32 to vector<400x5120xi32>
    %and3A_10 = arith.andi %slice3A_8, %and3A_9 : vector<400x5120xi32>
    %or3A = arith.ori %shift_right_logical3A_7, %and3A_10 : vector<400x5120xi32>
    %reshape3A = vector.shape_cast %or3A : vector<400x5120xi32> to vector<16000x128xi32>
    %swap3A = arith.constant 0 : index
    %swap3A_11 = arith.constant 0 : index
    %swap3A_12 = vector.load %arg3[%swap3A, %swap3A_11] : memref<16000x128xi32, #tpu.memory_space<vmem>>, vector<16000x128xi32>
    tpu.vector_store %arg3[%swap3A, %swap3A_11], %reshape3A {strides = array<i32>} : memref<16000x128xi32, #tpu.memory_space<vmem>>, vector<16000x128xi32>,
    return
  }
  func.func @transform_0(%arg0: i32) -> (i32, i32) {
    %c0_i32 = arith.constant 0 : i32
    %c0_i32_0 = arith.constant 0 : i32
    return %arg0, %c0_i32 : i32, i32
  }
  func.func @transform_1(%arg0: i32) -> (i32, i32) {
    %c0_i32 = arith.constant 0 : i32
    %c0_i32_0 = arith.constant 0 : i32
    %c0_i32_1 = arith.constant 0 : i32
    return %c0_i32, %c0_i32_0 : i32, i32
  }
  func.func @transform_2(%arg0: i32) -> (i32, i32) {
    %c0_i32 = arith.constant 0 : i32
    %c0_i32_0 = arith.constant 0 : i32
    return %arg0, %c0_i32 : i32, i32
  }
}

module attributes {stable_mosaic.version = 14 : i64} {
  func.func @_tc_loss_body(%arg0: memref<5000x128xi32, #tpu.memory_space<vmem>>, %arg1: memref<5000x128xi32, #tpu.memory_space<vmem>>, %arg2: memref<1x1xf32, #tpu.memory_space<smem>>) attributes {dimension_semantics = [], scalar_prefetch = 0 : i64, scratch_operands = 0 : i64, tpu.core_type = #tpu.core_type<tc>} {
    %get3A = arith.constant 0 : index
    %get3A_0 = arith.constant 0 : index
    %get3A_1 = vector.load %arg0[%get3A, %get3A_0] : memref<5000x128xi32, #tpu.memory_space<vmem>>, vector<5000x128xi32>
    %get3A_2 = arith.constant 0 : index
    %get3A_3 = arith.constant 0 : index
    %get3A_4 = vector.load %arg1[%get3A_2, %get3A_3] : memref<5000x128xi32, #tpu.memory_space<vmem>>, vector<5000x128xi32>
    %eq3A = arith.constant 0 : i32
    %eq3A_5 = vector.broadcast %eq3A : i32 to vector<5000x128xi32>
    %eq3A_6 = arith.cmpi eq, %get3A_4, %eq3A_5 : vector<5000x128xi32>
    %shift_left3A = arith.constant 16 : i32
    %shift_left3A_7 = vector.broadcast %shift_left3A : i32 to vector<5000x128xi32>
    %shift_left3A_8 = arith.shli %get3A_1, %shift_left3A_7 : vector<5000x128xi32>
    %and3A = arith.constant -65536 : i32
    %and3A_9 = vector.broadcast %and3A : i32 to vector<5000x128xi32>
    %and3A_10 = arith.andi %get3A_1, %and3A_9 : vector<5000x128xi32>
    %select_n3A = arith.select %eq3A_6, %shift_left3A_8, %and3A_10 : vector<5000x128xi1>, vector<5000x128xi32>
    %bitcast_convert_type3A = tpu.bitcast %select_n3A : vector<5000x128xi32> -> vector<5000x128xf32>
    %slice3A = vector.extract_strided_slice %bitcast_convert_type3A {offsets = [0, 0], sizes = [2500, 128], strides = [1, 1]} : vector<5000x128xf32> to vector<2500x128xf32>
    %slice3A_11 = vector.extract_strided_slice %bitcast_convert_type3A {offsets = [2500, 0], sizes = [2500, 128], strides = [1, 1]} : vector<5000x128xf32> to vector<2500x128xf32>
    %logistic3A = arith.negf %slice3A : vector<2500x128xf32>
    %logistic3A_12 = math.exp %logistic3A : vector<2500x128xf32>
    %logistic3A_13 = arith.constant 1.000000e+00 : f32
    %logistic3A_14 = vector.broadcast %logistic3A_13 : f32 to vector<2500x128xf32>
    %logistic3A_15 = arith.addf %logistic3A_14, %logistic3A_12 : vector<2500x128xf32>
    %logistic3A_16 = arith.divf %logistic3A_14, %logistic3A_15 : vector<2500x128xf32>
    %add3A = arith.constant 1.000000e-15 : f32
    %add3A_17 = vector.broadcast %add3A : f32 to vector<2500x128xf32>
    %add3A_18 = arith.addf %logistic3A_16, %add3A_17 : vector<2500x128xf32>
    %log3A = math.log %add3A_18 : vector<2500x128xf32>
    %neg3A = arith.constant 0.000000e+00 : f32
    %neg3A_19 = vector.broadcast %neg3A : f32 to vector<2500x128xf32>
    %neg3A_20 = arith.subf %neg3A_19, %log3A : vector<2500x128xf32>
    %logistic3A_21 = arith.negf %slice3A_11 : vector<2500x128xf32>
    %logistic3A_22 = math.exp %logistic3A_21 : vector<2500x128xf32>
    %logistic3A_23 = arith.constant 1.000000e+00 : f32
    %logistic3A_24 = vector.broadcast %logistic3A_23 : f32 to vector<2500x128xf32>
    %logistic3A_25 = arith.addf %logistic3A_24, %logistic3A_22 : vector<2500x128xf32>
    %logistic3A_26 = arith.divf %logistic3A_24, %logistic3A_25 : vector<2500x128xf32>
    %sub3A = arith.constant 1.000000e+00 : f32
    %sub3A_27 = vector.broadcast %sub3A : f32 to vector<2500x128xf32>
    %sub3A_28 = arith.subf %sub3A_27, %logistic3A_26 : vector<2500x128xf32>
    %add3A_29 = arith.constant 1.000000e-15 : f32
    %add3A_30 = vector.broadcast %add3A_29 : f32 to vector<2500x128xf32>
    %add3A_31 = arith.addf %sub3A_28, %add3A_30 : vector<2500x128xf32>
    %log3A_32 = math.log %add3A_31 : vector<2500x128xf32>
    %neg3A_33 = arith.constant 0.000000e+00 : f32
    %neg3A_34 = vector.broadcast %neg3A_33 : f32 to vector<2500x128xf32>
    %neg3A_35 = arith.subf %neg3A_34, %log3A_32 : vector<2500x128xf32>
    %reduce_sum3A = vector.shape_cast %neg3A_20 : vector<2500x128xf32> to vector<1x2500x128xf32>
    %reduce_sum3A_36 = arith.constant dense<0.000000e+00> : vector<1xf32>
    %reduce_sum3A_37 = vector.multi_reduction <add>, %reduce_sum3A, %reduce_sum3A_36 [1, 2] : vector<1x2500x128xf32> to vector<1xf32>
    %reduce_sum3A_38 = vector.shape_cast %reduce_sum3A_37 : vector<1xf32> to vector<1x1x1xf32>
    %reduce_sum3A_39 = vector.extract %reduce_sum3A_38[0, 0, 0] : f32 from vector<1x1x1xf32>
    %reduce_sum3A_40 = vector.shape_cast %neg3A_35 : vector<2500x128xf32> to vector<1x2500x128xf32>
    %reduce_sum3A_41 = arith.constant dense<0.000000e+00> : vector<1xf32>
    %reduce_sum3A_42 = vector.multi_reduction <add>, %reduce_sum3A_40, %reduce_sum3A_41 [1, 2] : vector<1x2500x128xf32> to vector<1xf32>
    %reduce_sum3A_43 = vector.shape_cast %reduce_sum3A_42 : vector<1xf32> to vector<1x1x1xf32>
    %reduce_sum3A_44 = vector.extract %reduce_sum3A_43[0, 0, 0] : f32 from vector<1x1x1xf32>
    %add3A_45 = arith.addf %reduce_sum3A_39, %reduce_sum3A_44 : f32
    %div3A = arith.constant 3.200000e+05 : f32
    %div3A_46 = arith.divf %add3A_45, %div3A : f32
    %swap3A = arith.constant 0 : index
    %swap3A_47 = arith.constant 0 : index
    %swap3A_48 = memref.load %arg2[%swap3A, %swap3A_47] : memref<1x1xf32, #tpu.memory_space<smem>>
    memref.store %div3A_46, %arg2[%swap3A, %swap3A_47] : memref<1x1xf32, #tpu.memory_space<smem>>
    return
  }
}

</mosaic_0001>

<sc_bundles>
// kernel: kernel.5.cloned.1.call-start
scs
__scs_entry_jumppad:
0x0: {  	(pc) =	sbr.rel $0x88, $3  }
0x1: {  	(tag) =	ssettag $0x0;
	lr =	simm.s32 $0x1  }
0x2: {  	[smem:$0x3F9E] =	sst lr;
	_ =	strace $0xD0000000  }
0x3: {  	_ = 	snop  }
0x4: {  	_ = 	snop  }
0x5: {  	_ = 	snop  }
0x6: {  	_ = 	snop  }
0x7: {  	_ = 	snop  }
__scs_overlays_trampoline_lowered:
0x8: {  	[smem:$0x3FAD] =	sst s0  }
0x9: {  	[smem:$0x3FAE] =	sst s1  }
0xa: {  	[smem:$0x3FAF] =	sst s2  }
0xb: {  	[smem:$0x3FB0] =	sst s3  }
0xc: {  	[smem:$0x3FB1] =	sst s4  }
0xd: {  	[smem:$0x3FB2] =	sst s5  }
0xe: {  	[smem:$0x3FB3] =	sst s6  }
0xf: {  	[smem:$0x3FB4] =	sst s7  }
0x10: {  	[smem:$0x3FB5] =	sst s8  }
0x11: {  	[smem:$0x3FB6] =	sst s9;
	s0 =	simm.s32 @!p0 $0x0  }
0x12: {  	s1 =	sld [smem:$0x3F9C];
	s0 =	simm.s32 @p0 $0x1  }
0x13: {  	[smem:$0x3FB7] =	sst s0;
	s0 =	simm.s32 @!p1 $0x0  }
0x14: {  	s2 =	sld [smem:$0x3F9B];
	s0 =	simm.s32 @p1 $0x1  }
0x15: {  	[smem:$0x3FB8] =	sst s0;
	s0 =	simm.s32 @!p2 $0x0  }
0x16: {  	s3 =	sld [smem:$0x3FDB];
	s0 =	simm.s32 @p2 $0x1  }
0x17: {  	s4 =	simm.s32 $0x1BF5;
	[smem:$0x3FBA] =	sst s0  }
0x18: {  	s0 =	sld [smem:$0x3F9D];
	_ =	swait.ge [sflag:s4], $0x0  }
0x19: {  	s7 =	sld [smem:$0x3F9E]  }
0x1a: {  	s8 =	sadd.s32 $0xFFFFE003, lr  }
0x1b: {  	s9 =	sadd.s32 $0xFFFFFEF7, lr;
	s5 =	simm.s32 $0xFFFFFFFF;
	p2 =	slt.u32 s8, $0xFFFFF086  }
0x1c: {  	p1 =	slt.u32 s9, $0xF7A;
	s5 =	simm.s32 @!p2 $0x0  }
0x1d: {  	s5 =	simm.s32 @p1 $0x1;
	p0 =	seq.s32 s7, s2  }
0x1e: {  	s7 =	smul.u32 @!p0 $0xF7A, s2;
	p2 =	seq.s32 @!p0 s5, $0x0  }
0x1f: {  	s9 =	smul.u32 $0xF7A, s1;
	s8 =	simm.s32 @!p0 $0x1BF5;
	p2 =	por !p2, p0  }
0x20: {  	[sflag:s8] =	ssyncset.s32 @!p0 $0xFFFFF086;
	s6 =	sadd.s32 @!p0 s3, s7;
	s7 =	simm.s32 @!p0 $0x108  }
0x21: {  	s3 =	sadd.s32 s3, s9;
	s6 =	sadd.s32 @!p0 $0x88, s6;
	s7 =	simm.s32 @p2 $0x1082  }
0x22: {  	[simem:s7], [sflag:s8] =	dma.local @!p0 [hbm:s6], $0xF7A  }
0x23: {  	s9 =	sor.u32 $0xD0000000, s2;
	s6 =	simm.s32 $0x108;
	_ =	swait.ge @!p0 [sflag:s8], $0x0  }
0x24: {  	s3 =	sadd.s32 $0x88, s3;
	s6 =	simm.s32 @!p1 $0x1082;
	[sflag:s4] =	ssyncset.s32 $0xFFFFF086  }
0x25: {  	[simem:s6], [sflag:s4] =	dma.local [hbm:s3], $0xF7A  }
0x26: {  	[smem:$0x3F9E] =	sst s1;
	(tag) =	ssettag s2;
	_ =	strace s9  }
0x27: {  	s1 =	sld [smem:$0x3FAE]  }
0x28: {  	s2 =	sld [smem:$0x3FAF]  }
0x29: {  	s4 =	sld [smem:$0x3FB1]  }
0x2a: {  	p0 =	seq.s32 s5, $0x0;
	s5 =	sld [smem:$0x3FB2]  }
0x2b: {  	s6 =	sld [smem:$0x3FB3]  }
0x2c: {  	s7 =	sld [smem:$0x3FB4]  }
0x2d: {  	s3 =	simm.s32 $0x108;
	s8 =	sld [smem:$0x3FB5]  }
0x2e: {  	s3 =	simm.s32 @!p0 $0x1082;
	s9 =	sld [smem:$0x3FB6]  }
0x2f: {  	lr =	sadd.s32 s0, s3;
	s0 =	sld [smem:$0x3FAD]  }
0x30: {  	s3 =	sld [smem:$0x3FB0]  }
0x31: {  	[smem:$0x3FB9] =	sst s10  }
0x32: {  	s10 =	sld [smem:$0x3FB7];
	_ =	sdelay $0x3  }
0x33: {  	p0 =	seq.s32 s10, $0x1;
	s10 =	sld [smem:$0x3FB9];
	_ =	sdelay $0x3  }
0x34: {  	[smem:$0x3FB9] =	sst s10  }
0x35: {  	s10 =	sld [smem:$0x3FB8];
	_ =	sdelay $0x3  }
0x36: {  	p1 =	seq.s32 s10, $0x1;
	s10 =	sld [smem:$0x3FB9];
	_ =	sdelay $0x3  }
0x37: {  	[smem:$0x3FB9] =	sst s10  }
0x38: {  	s10 =	sld [smem:$0x3FBA]  }
0x39: {  	_ = 	snop;
	(pc) =	sbr.ind lr, $3  }
0x3a: {  	_ = 	snop  }
0x3b: {  	_ = 	snop  }
0x3c: {  	p2 =	seq.s32 s10, $0x1;
	s10 =	sld [smem:$0x3FB9]  }
0x3d: {  	_ =	shalt  }
0x3e: {  	_ =	shalt  }
0x3f: {  	_ =	shalt  }
0x40: {  	_ =	shalt  }
0x41: {  	_ =	shalt  }
0x42: {  	_ =	shalt  }
0x43: {  	_ =	shalt  }
0x44: {  	_ =	shalt  }
0x45: {  	_ =	shalt  }
0x46: {  	_ =	shalt  }
0x47: {  	_ =	shalt  }
0x48: {  	_ =	shalt  }
0x49: {  	_ =	shalt  }
0x4a: {  	_ =	shalt  }
0x4b: {  	_ =	shalt  }
0x4c: {  	_ =	shalt  }
0x4d: {  	_ =	shalt  }
0x4e: {  	_ =	shalt  }
0x4f: {  	_ =	shalt  }
0x50: {  	_ =	shalt  }
0x51: {  	_ =	shalt  }
0x52: {  	_ =	shalt  }
0x53: {  	_ =	shalt  }
0x54: {  	_ =	shalt  }
0x55: {  	_ =	shalt  }
0x56: {  	_ =	shalt  }
0x57: {  	_ =	shalt  }
0x58: {  	_ =	shalt  }
0x59: {  	_ =	shalt  }
0x5a: {  	_ =	shalt  }
0x5b: {  	_ =	shalt  }
0x5c: {  	_ =	shalt  }
0x5d: {  	_ =	shalt  }
0x5e: {  	_ =	shalt  }
0x5f: {  	_ =	shalt  }
0x60: {  	_ =	shalt  }
0x61: {  	_ =	shalt  }
0x62: {  	_ =	shalt  }
0x63: {  	_ =	shalt  }
0x64: {  	_ =	shalt  }
0x65: {  	_ =	shalt  }
0x66: {  	_ =	shalt  }
0x67: {  	_ =	shalt  }
0x68: {  	_ =	shalt  }
0x69: {  	_ =	shalt  }
0x6a: {  	_ =	shalt  }
0x6b: {  	_ =	shalt  }
0x6c: {  	_ =	shalt  }
0x6d: {  	_ =	shalt  }
0x6e: {  	_ =	shalt  }
0x6f: {  	_ =	shalt  }
0x70: {  	_ =	shalt  }
0x71: {  	_ =	shalt  }
0x72: {  	_ =	shalt  }
0x73: {  	_ =	shalt  }
0x74: {  	_ =	shalt  }
0x75: {  	_ =	shalt  }
0x76: {  	_ =	shalt  }
0x77: {  	_ =	shalt  }
0x78: {  	_ =	shalt  }
0x79: {  	_ =	shalt  }
0x7a: {  	_ =	shalt  }
0x7b: {  	_ =	shalt  }
0x7c: {  	_ =	shalt  }
0x7d: {  	_ =	shalt  }
0x7e: {  	_ =	shalt  }
0x7f: {  	_ =	shalt  }
0x80: {  	_ =	shalt  }
0x81: {  	_ =	shalt  }
0x82: {  	_ =	shalt  }
0x83: {  	_ =	shalt  }
0x84: {  	_ =	shalt  }
0x85: {  	_ =	shalt  }
0x86: {  	_ =	shalt  }
0x87: {  	_ =	shalt  }
.Lfunc_end0:
.L_simem_size_0:
called_computation_lowered:
.L_overlay_start_0:
0x88: {  	s2 =	sld [smem:$0x3FD9]  }
0x89: {  	s3 =	sld [smem:$0x3FFE];
	_ =	sdelay $0x1  }
0x8a: {  	s1 =	srdreg.scid  }
0x8b: {  	s0 =	sand.u32 $0x1, s1  }
0x8c: {  	s16 =	sshll.u32 s0, $0xA;
	s2 =	sadd.s32 s3, s2  }
0x8d: {  	s2 =	sadd.s32 s2, s16  }
0x8e: {  	[smem:$0x3FC5] =	sst s2  }
0x8f: {  	_ = 	snop  }
0x90: {  	(tm) =	ssettm $0x1  }
0x91: {  	s17 =	sld [smem:$0x3FFB];
	_ =	sdelay $0x3  }
0x92: {  	_ =	strace s17  }
0x93: {  	s2 =	sld [smem:$0x3FFC];
	_ =	sdelay $0x3  }
0x94: {  	_ =	strace s2  }
0x95: {  	s2 =	sld [smem:$0x3FFD];
	_ =	sdelay $0x3  }
0x96: {  	_ =	strace s2  }
0x97: {  	_ =	strace $0x8FFFFFFF  }
0x98: {  	s18 =	sld [smem:$0x3FDB];
	_ =	sdelay $0x1  }
0x99: {  	s19 =	simm.s32 $_scs_section_size  }
0x9a: {  	s4 =	simm.s32 $_size__tile_overlayer_lowered;
	s5 =	simm.s32 $_tile_overlayer_lowered  }
0x9b: {  	s22 =	simm.s32 $0x1BFF;
	s21 =	sshll.u32 s5, $0x1;
	s2 =	sadd.s32 s19, s18  }
0x9c: {  	s6 =	simm.s32 $0x0;
	s20 =	sshll.u32 s4, $0x1;
	s4 =	sadd.s32 s21, s2  }
0x9d: {  	[timem:s6], [sflag:s22] =	dma.local [hbm:s4], s20  }
0x9e: {  	_ =	swait.ge [sflag:s22], s20  }
0x9f: {  	s3 =	ssub.s32 $0x0, s20;
	[sflag:s22] =	ssyncset.done $0x0  }
0xa0: {  	[sflag:s22] =	ssyncadd.s32 s3;
	_ =	sdelay $0x1  }
0xa1: {  	s23 =	simm.s32 $0x1B8B  }
0xa2: {  	_ =	swait.ge [sflag:s23], $0x1  }
0xa3: {  	[sflag:s23] =	ssyncset.done $0x0  }
0xa4: {  	s25 =	simm.s32 $0x1B8E;
	s24 =	sld [smem:$0x3FFE];
	[sflag:s23] =	ssyncadd.s32 $0xFFFFFFFF  }
0xa5: {  	s26 =	simm.s32 $execute0_lowered;
	[smem:$0x3FD2] =	sst s25  }
0xa6: {  	s4 =	sshll.u32 s26, $0x1;
	_ =	strace $0x80000046;
	[dreg:$0x1] =	wrdreg $0xFFFFFFFF  }
0xa7: {  	s28 =	simm.s32 $_size_execute0_lowered;
	s2 =	sadd.s32 s2, s4;
	[dreg:$0x0] =	wrdreg $0x0  }
0xa8: {  	s4 =	sshll.u32 s28, $0x1;
	[dreg:$0x2] =	wrdreg s2  }
0xa9: {  	[dreg:$0x3] =	wrdreg s4  }
0xaa: {  	[dreg:$0x4] =	wrdreg $0xC0  }
0xab: {  	_ =	task [dreg:s6], $0x5FFFF  }
0xac: {  	[dreg:$0x1] =	wrdreg $0xFFFFFFFF  }
0xad: {  	[dreg:$0x0] =	wrdreg $0x60  }
0xae: {  	[dreg:$0x2] =	wrdreg s24  }
0xaf: {  	[dreg:$0x3] =	wrdreg $0x9  }
0xb0: {  	_ =	task.clear_ibuf [dreg:s6], $0x4FFFF;
	_ =	strace $0x90000046  }
0xb1: {  	s29 =	simm.s32 $0x9;
	_ =	strace $0x80000048  }
0xb2: {  	_ =	swait.ge [sflag:s29], $0x1  }
0xb3: {  	[sflag:s29] =	ssyncadd.s32 $0xFFFFFFFF  }
0xb4: {  	_ =	strace $0x90000048  }
0xb5: {  	_ =	sfence  }
0xb6: {  	s30 =	sld [smem:$0x0];
	_ =	sdelay $0x2  }
0xb7: {  	s31 =	sshll.u32 s1, $0xD;
	s1 =	sshrl.u32 s1, $0x2  }
0xb8: {  	s3 =	sand.u32 $0x4000, s31;
	s1 =	sadd.s32 s1, s30  }
0xb9: {  	s0 =	sor.u32 s3, s0;
	s1 =	sshll.u32 s1, $0x11  }
0xba: {  	s0 =	sor.u32 s1, s0  }
0xbb: {  	s0 =	sadd.s32 $0x8F2B, s0  }
0xbc: {  	[sflag:s0] =	ssyncadd.remote.s32 $0x1  }
0xbd: {  	_ =	sfence.sel $0xFFFF  }
0xbe: {  	[dreg:$0x0] =	wrdreg $0xFFFFFFFF;
	(pc) =	sbr.abs _section_cstart, $3  }
0xbf: {  	[dreg:$0x1] =	wrdreg $0xFFFFFFFF  }
0xc0: {  	_ =	task.clear_ibuf [dreg:s6], $0x2FFFF;
	_ =	strace $0x9FFFFFFF  }
0xc1: {  	(tm) =	ssettm $0x7FFFFFFF  }
tec
execute0_lowered:
.L_overlay_start_1:
0x0: {  	(tag) =	ssettag $0x1  }
0x1: {  	s1 =	srdreg.scid  }
0x2: {  	s0 =	stileid.u32;
	s2 =	rddreg [dreg:$0x0]  }
0x3: {  	s7 =	simm.s32 $0x2;
	s8 =	simm.s32 $0x50;
	s9 =	simm.s32 $0x4E80  }
0x4: {  	s10 =	simm.s32 $0x4ED0;
	s11 =	simm.s32 $0xA0;
	s12 =	simm.s32 $0x4F20  }
0x5: {  	s13 =	simm.s32 $0xF0;
	s14 =	simm.s32 $0x4F70;
	s15 =	simm.s32 $0x140  }
0x6: {  	s16 =	simm.s32 $0x4FC0;
	s17 =	simm.s32 $0x190;
	s18 =	simm.s32 $0x5010  }
0x7: {  	s19 =	simm.s32 $0x1E0;
	s20 =	simm.s32 $0x5060;
	s21 =	simm.s32 $0x230  }
0x8: {  	s22 =	simm.s32 $0x50B0;
	s4 =	sand.u32 $0x1, s1;
	s3 =	sshll.u32 s0, $0x1  }
0x9: {  	s23 =	simm.s32 $0x1;
	s1 =	rddreg [dreg:$0x1];
	s5 =	sor.u32 s4, s3  }
0xa: {  	s3 =	simm.s32 $0x0;
	s4 =	ssub.s32 $0x2, s4;
	s5 =	smul.u32 $0x9C4, s5  }
0xb: {  	s24 =	simm.s32 $0x0;
	[smem:$0x7FF] =	sst s3;
	s6 =	sshrl.u32 s4, $0x1  }
0xc: {  	_ =	strace $0x80000047;
	s6 =	ssub.s32 s4, s6;
	s5 =	sadd.s32 s5, s2  }
0xd: {  	s6 =	smax.u32 s6, $0x1;
	s4 =	sadd.s32 $0x62E400, s5;
	s5 =	sadd.s32 $0x641E00, s5  }
.LBB2_1:
0xe: {  	[tilespmem:s3], [sflag:$0x2] =	stream.linear.gather [hbm4b:s4+s3], $0x4E20, $0x38;
	[tilespmem:$0x9D00] =	vst v63  }
0xf: {  	_ =	swait.ge [sflag:s7], $0x4E20  }
0x10: {  	[sflag:s7] =	ssyncset.done $0x0  }
0x11: {  	[sflag:s7] =	ssyncadd.s32 $0xFFFFB1E0  }
0x12: {  	[tilespmem:s9], [sflag:$0x1] =	stream.indirect.gather [hbm4b:s2+s8], $0x1, s3, s8, $0xb8;
	[tilespmem:$0x9D00] =	vst v63  }
0x13: {  	_ = 	snop  }
0x14: {  	[tilespmem:s10], [sflag:$0x1] =	stream.indirect.gather [hbm4b:s2+s8], $0x1, s8, s8, $0xb8;
	[tilespmem:$0x9D00] =	vst v63  }
0x15: {  	_ = 	snop  }
0x16: {  	[tilespmem:s12], [sflag:$0x1] =	stream.indirect.gather [hbm4b:s2+s8], $0x1, s11, s8, $0xb8;
	[tilespmem:$0x9D00] =	vst v63  }
0x17: {  	_ = 	snop  }
0x18: {  	[tilespmem:s14], [sflag:$0x1] =	stream.indirect.gather [hbm4b:s2+s8], $0x1, s13, s8, $0xb8;
	[tilespmem:$0x9D00] =	vst v63  }
0x19: {  	_ = 	snop  }
0x1a: {  	[tilespmem:s16], [sflag:$0x1] =	stream.indirect.gather [hbm4b:s2+s8], $0x1, s15, s8, $0xb8;
	[tilespmem:$0x9D00] =	vst v63  }
0x1b: {  	_ = 	snop  }
0x1c: {  	[tilespmem:s18], [sflag:$0x1] =	stream.indirect.gather [hbm4b:s2+s8], $0x1, s17, s8, $0xb8;
	[tilespmem:$0x9D00] =	vst v63  }
0x1d: {  	_ = 	snop  }
0x1e: {  	[tilespmem:s20], [sflag:$0x1] =	stream.indirect.gather [hbm4b:s2+s8], $0x1, s19, s8, $0xb8;
	[tilespmem:$0x9D00] =	vst v63  }
0x1f: {  	_ = 	snop  }
0x20: {  	[tilespmem:s22], [sflag:$0x1] =	stream.indirect.gather [hbm4b:s2+s8], $0x1, s21, s8, $0xb8;
	[tilespmem:$0x9D00] =	vst v63  }
0x21: {  	s25 =	simm.s32 $0x280;
	s26 =	simm.s32 $0x5100  }
0x22: {  	[tilespmem:s26], [sflag:$0x1] =	stream.indirect.gather [hbm4b:s2+s8], $0x1, s25, s8, $0xb8;
	[tilespmem:$0x9D00] =	vst v63  }
0x23: {  	s25 =	simm.s32 $0xB40;
	_ =	swait.ge [sflag:s23], $0x50  }
.LBB2_2:
0x24: {  	s26 =	sshra.s32 s25, $0x2;
	[sflag:s23] =	ssyncset.done $0x0;
	p0 =	sne.s32 s25, $0x13740  }
.Ltmp0:
0x25: {  	s28 =	sadd.s32 $0x4E80, s26;
	[sflag:s23] =	ssyncadd.s32 $0xFFFFFFB0;
	(pc) =	sbr.rel @p0 .LBB2_2-.Ltmp0, $3  }
0x26: {  	[tilespmem:s28], [sflag:$0x1] =	stream.indirect.gather [hbm4b:s2+s8], $0x1, s26, s8, $0xb8;
	[tilespmem:$0x9D00] =	vst v63  }
0x27: {  	s25 =	sadd.s32 $0x140, s25;
	_ =	sdelay $0x1  }
0x28: {  	_ =	swait.ge [sflag:s23], $0x50  }
0x29: {  	[sflag:s23] =	ssyncset.done $0x0  }
0x2a: {  	[sflag:s23] =	ssyncadd.s32 $0xFFFFFFB0  }
0x2b: {  	_ =	swait.ge [sflag:s23], $0x50  }
0x2c: {  	[sflag:s23] =	ssyncset.done $0x0  }
0x2d: {  	[sflag:s23] =	ssyncadd.s32 $0xFFFFFFB0  }
0x2e: {  	_ =	swait.ge [sflag:s23], $0x50  }
0x2f: {  	[sflag:s23] =	ssyncset.done $0x0  }
0x30: {  	[sflag:s23] =	ssyncadd.s32 $0xFFFFFFB0  }
0x31: {  	_ =	swait.ge [sflag:s23], $0x50  }
0x32: {  	[sflag:s23] =	ssyncset.done $0x0  }
0x33: {  	[sflag:s23] =	ssyncadd.s32 $0xFFFFFFB0  }
0x34: {  	_ =	swait.ge [sflag:s23], $0x50  }
0x35: {  	[sflag:s23] =	ssyncset.done $0x0  }
0x36: {  	[sflag:s23] =	ssyncadd.s32 $0xFFFFFFB0  }
0x37: {  	_ =	swait.ge [sflag:s23], $0x50  }
0x38: {  	[sflag:s23] =	ssyncset.done $0x0  }
0x39: {  	[sflag:s23] =	ssyncadd.s32 $0xFFFFFFB0  }
0x3a: {  	_ =	swait.ge [sflag:s23], $0x50  }
0x3b: {  	[sflag:s23] =	ssyncset.done $0x0  }
0x3c: {  	[sflag:s23] =	ssyncadd.s32 $0xFFFFFFB0  }
0x3d: {  	_ =	swait.ge [sflag:s23], $0x50  }
0x3e: {  	[sflag:s23] =	ssyncset.done $0x0  }
0x3f: {  	[sflag:s23] =	ssyncadd.s32 $0xFFFFFFB0  }
0x40: {  	s24 =	sadd.s32 $0x1, s24;
	_ =	swait.ge [sflag:s23], $0x50  }
0x41: {  	p0 =	sne.s32 s24, s6;
	[sflag:s23] =	ssyncset.done $0x0  }
.Ltmp1:
0x42: {  	[sflag:s23] =	ssyncadd.s32 $0xFFFFFFB0;
	(pc) =	sbr.rel @p0 .LBB2_1-.Ltmp1, $4  }
0x43: {  	[hbm4b:s5+s3] =	stream.linear.scatter [tilespmem:s9], [sflag:$0x2], $0x4E20, $0x38;
	[tilespmem:$0x9D00] =	vst v63  }
0x44: {  	_ =	swait.ge [sflag:s7], $0x4E20  }
0x45: {  	[sflag:s7] =	ssyncset.done $0x0  }
0x46: {  	[sflag:s7] =	ssyncadd.s32 $0xFFFFB1E0  }
0x47: {  	_ =	sfence.sel $0x180000  }
0x48: {  	[bflag:$0x0] =	sbarrier.arrive $0xFFFF  }
0x49: {  	p0 =	sne.s32 s0, $0x0;
	_ =	strace $0x90000047  }
0x4a: {  	s0 =	sadd.s32 @!p0 $0x100000, s1;
	[bflag:$0x2] =	sbarrier.arrive $0xFFFF  }
0x4b: {  	[sflag:s0] =	ssyncadd.tile.s32 @!p0 $0x1;
	_ =	shalt  }
.Lfunc_end2:
_tile_overlayer_lowered:
.L_overlay_start_2:
0x4c: {  	(tag) =	ssettag $0x2  }
0x4d: {  	s0 =	rddreg [dreg:$0x0];
	s2 =	stileid.u32  }
0x4e: {  	s1 =	rddreg [dreg:$0x1];
	p0 =	sne.s32 s2, $0x0  }
0x4f: {  	s3 =	rddreg [dreg:$0x2];
	[bflag:$0x3] =	sbarrier.arrive $0xFFFF;
	s2 =	simm.s32 @!p0 $0x1C02  }
0x50: {  	[timem:s3], [sflag:s2] =	dma.local @!p0 [hbm:s0], s1  }
0x51: {  	s0 =	simm.s32 @!p0 $0x2  }
0x52: {  	_ =	swait.ge @!p0 [sflag:s0], s1  }
0x53: {  	s1 =	ssub.s32 @!p0 $0x0, s1;
	[sflag:s0] =	ssyncset.done @!p0 $0x0  }
0x54: {  	[sflag:s0] =	ssyncadd.s32 @!p0 s1  }
0x55: {  	[bflag:$0x3] =	sbarrier.arrive $0xFFFF  }
0x56: {  	_ =	shalt  }

</sc_bundles>
